<compile_context>
chip_gen: v7x
topology: tpu7x:2x2x1
jax: 0.10.2.dev20260603
libtpu: 0.0.44.dev20260713+nightly
codegen_flags: <defaults>
</compile_context>

<pallas_src>
import functools

import jax
import jax.numpy as jnp
from jax import lax
from jax.experimental import pallas as pl
from jax.experimental.pallas import tpu as pltpu
from jax.experimental.pallas import tpu_sc as plsc

_P = 128
_D = 4096
_BLK = 128
_NWORK = 16


def _sc_gather_prompt(prompt_table, prompt_tokens):
    info = plsc.get_sparse_core_info()
    num_cores = info.num_cores
    rows_per_w = _P // _NWORK
    mesh = plsc.VectorSubcoreMesh(core_axis_name="c", subcore_axis_name="s")

    @functools.partial(
        pl.kernel,
        mesh=mesh,
        out_type=jax.ShapeDtypeStruct((_P, _D), jnp.float32),
        scratch_types=[
            pltpu.VMEM((rows_per_w,), jnp.int32),
            pltpu.VMEM((rows_per_w, _D), jnp.float32),
            pltpu.SemaphoreType.DMA,
        ],
    )
    def gather_kernel(table_hbm, tok_hbm, out_hbm, idx_v, rows_v, sem):
        wid = lax.axis_index("s") * num_cores + lax.axis_index("c")

        @pl.when(wid < _NWORK)
        def _():
            base = wid * rows_per_w
            pltpu.sync_copy(tok_hbm.at[pl.ds(base, rows_per_w)], idx_v)
            pltpu.async_copy(table_hbm.at[idx_v], rows_v, sem).wait()
            pltpu.sync_copy(rows_v, out_hbm.at[pl.ds(base, rows_per_w)])

    return gather_kernel(prompt_table, prompt_tokens)


_NPRE = _P // _BLK


def _tc_copy_body(embedded_input):
    batch, seq, d = embedded_input.shape
    nblk = seq // _BLK

    def body(in_ref, out_ref):
        out_ref[...] = in_ref[...]

    return pl.pallas_call(
        body,
        grid=(nblk,),
        in_specs=[
            pl.BlockSpec((batch, _BLK, d), lambda j: (0, j, 0)),
        ],
        out_specs=pl.BlockSpec((batch, _BLK, d), lambda j: (0, j + _NPRE, 0)),
        out_shape=jax.ShapeDtypeStruct((batch, _P + seq, d), jnp.float32),
        compiler_params=pltpu.CompilerParams(
            dimension_semantics=("parallel",),
        ),
    )(embedded_input)


def _tc_write_prefix(prompt, buf):
    batch, total, d = buf.shape

    def body(prompt_ref, _buf_ref, out_ref):
        out_ref[0] = prompt_ref[...]
        out_ref[1] = prompt_ref[...]

    return pl.pallas_call(
        body,
        grid=(batch // 2,),
        in_specs=[
            pl.BlockSpec((_P, d), lambda b: (0, 0)),
            pl.BlockSpec(memory_space=pltpu.MemorySpace.HBM),
        ],
        out_specs=pl.BlockSpec((2, _P, d), lambda b: (b, 0, 0)),
        out_shape=jax.ShapeDtypeStruct((batch, total, d), jnp.float32),
        input_output_aliases={1: 0},
        compiler_params=pltpu.CompilerParams(
            dimension_semantics=("arbitrary",),
        ),
    )(prompt, buf)


def kernel(embedded_input, prompt_table, prompt_tokens):
    prompt = _sc_gather_prompt(prompt_table, prompt_tokens)
    buf = _tc_copy_body(embedded_input)
    output = _tc_write_prefix(prompt, buf)
    return (output, _P)

# --- scband reference (transcript-rebuilt; emitter-appended) ---
"""Pipeline reference for scband-prompt-tuning-60155311948292 (READ-ONLY COPY).

The authoritative reference and input builder live on the scoring server;
editing this copy changes nothing except your own understanding.
"""

import jax, jax.numpy as jnp
import numpy as np

PROMPT_LENGTH = 128
D_MODEL = 4096
BATCH = 4
SEQ_LEN = 2048


def setup_inputs(seed: int = 0) -> dict:
    key = jax.random.key(seed)
    k1, k2 = jax.random.split(key)
    embedded_input = jax.random.normal(k1, (BATCH, SEQ_LEN, D_MODEL), dtype=jnp.float32)
    # learned prompt embedding table, init random_uniform in [-0.5, 0.5]
    prompt_table = jax.random.uniform(k2, (PROMPT_LENGTH, D_MODEL), minval=-0.5, maxval=0.5, dtype=jnp.float32)
    prompt_tokens = jnp.arange(PROMPT_LENGTH, dtype=jnp.int32)
    return {"embedded_input": embedded_input, "prompt_table": prompt_table, "prompt_tokens": prompt_tokens}


def reference(embedded_input, prompt_table, prompt_tokens):
    # prompt = self.prompt_embedding(self.prompt_tokens)  -> embedding gather
    prompt = jnp.take(prompt_table, prompt_tokens, axis=0)  # [P, D]
    batch_size = embedded_input.shape[0]
    # torch.tile(torch.unsqueeze(prompt, 0), [B, 1, 1])
    prompt_b = jnp.tile(prompt[None, :, :], (batch_size, 1, 1))  # [B, P, D]
    # combine == 'prefix': cat([prompt, embedded_input], dim=1)
    output = jnp.concatenate([prompt_b, embedded_input], axis=1)  # [B, P+S, D]
    prefix_attention_mask_length = PROMPT_LENGTH
    return (output, prefix_attention_mask_length)

if __name__ == "__main__":
    import jax
    _d = setup_inputs()
    print(jax.jit(kernel)(*tuple(_d.values())))

</pallas_src>

<mosaic_0001>
#map = affine_map<(d0, d1) -> (0, 0)>
#map1 = affine_map<(d0, d1) -> (0)>
module attributes {stable_mosaic.version = 14 : i64} {
  func.func @gather_kernel(%arg0: i32, %arg1: i32, %arg2: memref<128x4096xf32, #tpu.memory_space<hbm>>, %arg3: memref<128xi32, #tpu.memory_space<hbm>>, %arg4: memref<128x4096xf32, #tpu.memory_space<hbm>>, %arg5: memref<8xi32, #tpu.memory_space<vmem>>, %arg6: memref<8x4096xf32, #tpu.memory_space<vmem>>, %arg7: memref<!tpu.dma_semaphore, #tpu.memory_space<semaphore_mem>>) attributes {dimension_semantics = [#tpu.dimension_semantics<core_parallel>, #tpu.dimension_semantics<subcore_parallel>], iteration_bounds = array<i64: 2, 16>, scalar_prefetch = 0 : i64, scratch_operands = 3 : i64, tpu.core_type = #tpu.core_type<sc_vector_subcore>, window_params = [{transform_indices = #map}, {transform_indices = #map1}, {transform_indices = #map}]} {
    %mul3A = arith.constant 2 : i32
    %mul3A_0 = arith.muli %arg1, %mul3A : i32
    %add3A = arith.addi %mul3A_0, %arg0 : i32
    %lt3A = arith.constant 16 : i32
    %lt3A_1 = arith.cmpi slt, %add3A, %lt3A : i32
    %convert_element_type3A = arith.extui %lt3A_1 : i1 to i32
    %cond3A = arith.constant 0 : i32
    %cond3A_2 = arith.cmpi ne, %convert_element_type3A, %cond3A : i32
    scf.if %cond3A_2 {
      %mul3A_3 = arith.constant 8 : i32
      %mul3A_4 = arith.muli %add3A, %mul3A_3 : i32
      "tpu.region"() ({
        %run_scoped3A = tpu.sem_alloc : memref<!tpu.dma_semaphore, #tpu.memory_space<semaphore_mem>>
        %dma_start3A_9 = tpu.memref_slice %arg3[%mul3A_4] : memref<128xi32, #tpu.memory_space<hbm>> -> memref<8xi32, #tpu.memory_space<hbm>>
        %dma_start3A_10 = tpu.memref_slice %arg3[%mul3A_4] : memref<128xi32, #tpu.memory_space<hbm>> -> memref<8xi32, #tpu.memory_space<hbm>>
        tpu.enqueue_dma source(%dma_start3A_10 : memref<8xi32, #tpu.memory_space<hbm>>) target(%arg5 : memref<8xi32, #tpu.memory_space<vmem>>) target_semaphore(%run_scoped3A : memref<!tpu.dma_semaphore, #tpu.memory_space<semaphore_mem>>)
        %dma_wait3A_11 = tpu.memref_slice %arg3[%mul3A_4] : memref<128xi32, #tpu.memory_space<hbm>> -> memref<8xi32, #tpu.memory_space<hbm>>
        %dma_wait3A_12 = tpu.memref_slice %arg3[%mul3A_4] : memref<128xi32, #tpu.memory_space<hbm>> -> memref<8xi32, #tpu.memory_space<hbm>>
        tpu.wait_dma2 semaphore(%run_scoped3A : memref<!tpu.dma_semaphore, #tpu.memory_space<semaphore_mem>>) src(%dma_wait3A_12 : memref<8xi32, #tpu.memory_space<hbm>>) dst(%arg5 : memref<8xi32, #tpu.memory_space<vmem>>)
        tpu.yield
      }) : () -> ()
      %dma_start3A = arith.constant 0 : i32
      %dma_start3A_5 = arith.constant 0 : i32
      %dma_start3A_6 = tpu.memref_slice %arg2[%dma_start3A, %dma_start3A_5] : memref<128x4096xf32, #tpu.memory_space<hbm>> -> memref<128x4096xf32, #tpu.memory_space<hbm>>
      tpu.enqueue_indirect_dma source(%dma_start3A_6 : memref<128x4096xf32, #tpu.memory_space<hbm>>) target(%arg6 : memref<8x4096xf32, #tpu.memory_space<vmem>>) offsets(%arg5 : memref<8xi32, #tpu.memory_space<vmem>>) semaphore(%arg7 : memref<!tpu.dma_semaphore, #tpu.memory_space<semaphore_mem>>)
      %dma_wait3A = arith.constant 0 : i32
      %dma_wait3A_7 = arith.constant 0 : i32
      %dma_wait3A_8 = tpu.memref_slice %arg2[%dma_wait3A, %dma_wait3A_7] : memref<128x4096xf32, #tpu.memory_space<hbm>> -> memref<128x4096xf32, #tpu.memory_space<hbm>>
      tpu.wait_indirect_dma semaphore(%arg7 : memref<!tpu.dma_semaphore, #tpu.memory_space<semaphore_mem>>) src(%dma_wait3A_8 : memref<128x4096xf32, #tpu.memory_space<hbm>>) dst(%arg6 : memref<8x4096xf32, #tpu.memory_space<vmem>>)
      "tpu.region"() ({
        %run_scoped3A = tpu.sem_alloc : memref<!tpu.dma_semaphore, #tpu.memory_space<semaphore_mem>>
        %dma_start3A_9 = arith.constant 0 : i32
        %dma_start3A_10 = tpu.memref_slice %arg4[%mul3A_4, %dma_start3A_9] : memref<128x4096xf32, #tpu.memory_space<hbm>> -> memref<8x4096xf32, #tpu.memory_space<hbm>>
        %dma_start3A_11 = arith.constant 0 : i32
        %dma_start3A_12 = tpu.memref_slice %arg4[%mul3A_4, %dma_start3A_11] : memref<128x4096xf32, #tpu.memory_space<hbm>> -> memref<8x4096xf32, #tpu.memory_space<hbm>>
        tpu.enqueue_dma source(%arg6 : memref<8x4096xf32, #tpu.memory_space<vmem>>) target(%dma_start3A_12 : memref<8x4096xf32, #tpu.memory_space<hbm>>) target_semaphore(%run_scoped3A : memref<!tpu.dma_semaphore, #tpu.memory_space<semaphore_mem>>)
        %dma_wait3A_13 = arith.constant 0 : i32
        %dma_wait3A_14 = tpu.memref_slice %arg4[%mul3A_4, %dma_wait3A_13] : memref<128x4096xf32, #tpu.memory_space<hbm>> -> memref<8x4096xf32, #tpu.memory_space<hbm>>
        %dma_wait3A_15 = arith.constant 0 : i32
        %dma_wait3A_16 = tpu.memref_slice %arg4[%mul3A_4, %dma_wait3A_15] : memref<128x4096xf32, #tpu.memory_space<hbm>> -> memref<8x4096xf32, #tpu.memory_space<hbm>>
        tpu.wait_dma2 semaphore(%run_scoped3A : memref<!tpu.dma_semaphore, #tpu.memory_space<semaphore_mem>>) src(%arg6 : memref<8x4096xf32, #tpu.memory_space<vmem>>) dst(%dma_wait3A_16 : memref<8x4096xf32, #tpu.memory_space<hbm>>)
        tpu.yield
      }) : () -> ()
    } else {
    }
    return
  }
}

module attributes {stable_mosaic.version = 14 : i64} {
  func.func @body(%arg0: i32, %arg1: memref<4x128x4096xf32, #tpu.memory_space<vmem>>, %arg2: memref<4x128x4096xf32, #tpu.memory_space<vmem>>) attributes {dimension_semantics = [#tpu.dimension_semantics<parallel>], iteration_bounds = array<i64: 16>, scalar_prefetch = 0 : i64, scratch_operands = 0 : i64, tpu.core_type = #tpu.core_type<tc>, window_params = [{transform_indices = @transform_0, window_bounds = array<i64: 4, 128, 4096>}, {transform_indices = @transform_1, window_bounds = array<i64: 4, 128, 4096>}]} {
    %get3A = arith.constant 0 : index
    %get3A_0 = arith.constant 0 : index
    %get3A_1 = arith.constant 0 : index
    %get3A_2 = vector.load %arg1[%get3A, %get3A_0, %get3A_1] : memref<4x128x4096xf32, #tpu.memory_space<vmem>>, vector<4x128x4096xf32>
    %swap3A = arith.constant 0 : index
    %swap3A_3 = arith.constant 0 : index
    %swap3A_4 = arith.constant 0 : index
    %swap3A_5 = vector.load %arg2[%swap3A, %swap3A_3, %swap3A_4] : memref<4x128x4096xf32, #tpu.memory_space<vmem>>, vector<4x128x4096xf32>
    tpu.vector_store %arg2[%swap3A, %swap3A_3, %swap3A_4], %get3A_2 {strides = array<i32>} : memref<4x128x4096xf32, #tpu.memory_space<vmem>>, vector<4x128x4096xf32>,
    return
  }
  func.func @transform_0(%arg0: i32) -> (i32, i32, i32) {
    %c0_i32 = arith.constant 0 : i32
    %c0_i32_0 = arith.constant 0 : i32
    %c0_i32_1 = arith.constant 0 : i32
    return %c0_i32, %arg0, %c0_i32_0 : i32, i32, i32
  }
  func.func @transform_1(%arg0: i32) -> (i32, i32, i32) {
    %add3A = arith.constant 1 : i32
    %add3A_0 = arith.addi %arg0, %add3A : i32
    %c0_i32 = arith.constant 0 : i32
    %c0_i32_1 = arith.constant 0 : i32
    %c0_i32_2 = arith.constant 0 : i32
    return %c0_i32, %add3A_0, %c0_i32_1 : i32, i32, i32
  }
}

module attributes {stable_mosaic.version = 14 : i64} {
  func.func @body(%arg0: i32, %arg1: memref<128x4096xf32, #tpu.memory_space<vmem>>, %arg2: memref<4x2176x4096xf32, #tpu.memory_space<hbm>>, %arg3: memref<2x128x4096xf32, #tpu.memory_space<vmem>>) attributes {dimension_semantics = [#tpu.dimension_semantics<arbitrary>], iteration_bounds = array<i64: 2>, scalar_prefetch = 0 : i64, scratch_operands = 0 : i64, tpu.core_type = #tpu.core_type<tc>, window_params = [{pipeline_mode = #tpu.pipeline_mode<synchronous>, transform_indices = @transform_0, window_bounds = array<i64: 128, 4096>}, {}, {transform_indices = @transform_2, window_bounds = array<i64: 2, 128, 4096>}]} {
    %get3A = arith.constant 0 : index
    %get3A_0 = arith.constant 0 : index
    %get3A_1 = vector.load %arg1[%get3A, %get3A_0] : memref<128x4096xf32, #tpu.memory_space<vmem>>, vector<128x4096xf32>
    %swap3A = arith.constant 0 : index
    %swap3A_2 = arith.constant 0 : index
    %swap3A_3 = arith.constant 0 : index
    %swap3A_4 = vector.load %arg3[%swap3A, %swap3A_2, %swap3A_3] : memref<2x128x4096xf32, #tpu.memory_space<vmem>>, vector<1x128x4096xf32>
    %swap3A_5 = vector.shape_cast %swap3A_4 : vector<1x128x4096xf32> to vector<128x4096xf32>
    %swap3A_6 = vector.shape_cast %get3A_1 : vector<128x4096xf32> to vector<1x128x4096xf32>
    tpu.vector_store %arg3[%swap3A, %swap3A_2, %swap3A_3], %swap3A_6 {strides = array<i32>} : memref<2x128x4096xf32, #tpu.memory_space<vmem>>, vector<1x128x4096xf32>,
    %get3A_7 = arith.constant 0 : index
    %get3A_8 = arith.constant 0 : index
    %get3A_9 = vector.load %arg1[%get3A_7, %get3A_8] : memref<128x4096xf32, #tpu.memory_space<vmem>>, vector<128x4096xf32>
    %swap3A_10 = arith.constant 1 : index
    %swap3A_11 = arith.constant 0 : index
    %swap3A_12 = arith.constant 0 : index
    %swap3A_13 = vector.load %arg3[%swap3A_10, %swap3A_11, %swap3A_12] : memref<2x128x4096xf32, #tpu.memory_space<vmem>>, vector<1x128x4096xf32>
    %swap3A_14 = vector.shape_cast %swap3A_13 : vector<1x128x4096xf32> to vector<128x4096xf32>
    %swap3A_15 = vector.shape_cast %get3A_9 : vector<128x4096xf32> to vector<1x128x4096xf32>
    tpu.vector_store %arg3[%swap3A_10, %swap3A_11, %swap3A_12], %swap3A_15 {strides = array<i32>} : memref<2x128x4096xf32, #tpu.memory_space<vmem>>, vector<1x128x4096xf32>,
    return
  }
  func.func @transform_0(%arg0: i32) -> (i32, i32) {
    %c0_i32 = arith.constant 0 : i32
    %c0_i32_0 = arith.constant 0 : i32
    %c0_i32_1 = arith.constant 0 : i32
    return %c0_i32, %c0_i32_0 : i32, i32
  }
  func.func @transform_2(%arg0: i32) -> (i32, i32, i32) {
    %c0_i32 = arith.constant 0 : i32
    %c0_i32_0 = arith.constant 0 : i32
    %c0_i32_1 = arith.constant 0 : i32
    return %arg0, %c0_i32, %c0_i32_0 : i32, i32, i32
  }
}

</mosaic_0001>

<sc_bundles>
// kernel: kernel.5.cloned.1.call-start
scs
__scs_entry_jumppad:
0x0: {  	(pc) =	sbr.rel $0x88, $3  }
0x1: {  	(tag) =	ssettag $0x0;
	lr =	simm.s32 $0x1  }
0x2: {  	[smem:$0x3F9E] =	sst lr;
	_ =	strace $0xD0000000  }
0x3: {  	_ = 	snop  }
0x4: {  	_ = 	snop  }
0x5: {  	_ = 	snop  }
0x6: {  	_ = 	snop  }
0x7: {  	_ = 	snop  }
__scs_overlays_trampoline_lowered:
0x8: {  	[smem:$0x3FAD] =	sst s0  }
0x9: {  	[smem:$0x3FAE] =	sst s1  }
0xa: {  	[smem:$0x3FAF] =	sst s2  }
0xb: {  	[smem:$0x3FB0] =	sst s3  }
0xc: {  	[smem:$0x3FB1] =	sst s4  }
0xd: {  	[smem:$0x3FB2] =	sst s5  }
0xe: {  	[smem:$0x3FB3] =	sst s6  }
0xf: {  	[smem:$0x3FB4] =	sst s7  }
0x10: {  	[smem:$0x3FB5] =	sst s8  }
0x11: {  	[smem:$0x3FB6] =	sst s9;
	s0 =	simm.s32 @!p0 $0x0  }
0x12: {  	s1 =	sld [smem:$0x3F9C];
	s0 =	simm.s32 @p0 $0x1  }
0x13: {  	[smem:$0x3FB7] =	sst s0;
	s0 =	simm.s32 @!p1 $0x0  }
0x14: {  	s2 =	sld [smem:$0x3F9B];
	s0 =	simm.s32 @p1 $0x1  }
0x15: {  	[smem:$0x3FB8] =	sst s0;
	s0 =	simm.s32 @!p2 $0x0  }
0x16: {  	s3 =	sld [smem:$0x3FDB];
	s0 =	simm.s32 @p2 $0x1  }
0x17: {  	s4 =	simm.s32 $0x1BF5;
	[smem:$0x3FBA] =	sst s0  }
0x18: {  	s0 =	sld [smem:$0x3F9D];
	_ =	swait.ge [sflag:s4], $0x0  }
0x19: {  	s7 =	sld [smem:$0x3F9E]  }
0x1a: {  	s8 =	sadd.s32 $0xFFFFE003, lr  }
0x1b: {  	s9 =	sadd.s32 $0xFFFFFEF7, lr;
	s5 =	simm.s32 $0xFFFFFFFF;
	p2 =	slt.u32 s8, $0xFFFFF086  }
0x1c: {  	p1 =	slt.u32 s9, $0xF7A;
	s5 =	simm.s32 @!p2 $0x0  }
0x1d: {  	s5 =	simm.s32 @p1 $0x1;
	p0 =	seq.s32 s7, s2  }
0x1e: {  	s7 =	smul.u32 @!p0 $0xF7A, s2;
	p2 =	seq.s32 @!p0 s5, $0x0  }
0x1f: {  	s9 =	smul.u32 $0xF7A, s1;
	s8 =	simm.s32 @!p0 $0x1BF5;
	p2 =	por !p2, p0  }
0x20: {  	[sflag:s8] =	ssyncset.s32 @!p0 $0xFFFFF086;
	s6 =	sadd.s32 @!p0 s3, s7;
	s7 =	simm.s32 @!p0 $0x108  }
0x21: {  	s3 =	sadd.s32 s3, s9;
	s6 =	sadd.s32 @!p0 $0x88, s6;
	s7 =	simm.s32 @p2 $0x1082  }
0x22: {  	[simem:s7], [sflag:s8] =	dma.local @!p0 [hbm:s6], $0xF7A  }
0x23: {  	s9 =	sor.u32 $0xD0000000, s2;
	s6 =	simm.s32 $0x108;
	_ =	swait.ge @!p0 [sflag:s8], $0x0  }
0x24: {  	s3 =	sadd.s32 $0x88, s3;
	s6 =	simm.s32 @!p1 $0x1082;
	[sflag:s4] =	ssyncset.s32 $0xFFFFF086  }
0x25: {  	[simem:s6], [sflag:s4] =	dma.local [hbm:s3], $0xF7A  }
0x26: {  	[smem:$0x3F9E] =	sst s1;
	(tag) =	ssettag s2;
	_ =	strace s9  }
0x27: {  	s1 =	sld [smem:$0x3FAE]  }
0x28: {  	s2 =	sld [smem:$0x3FAF]  }
0x29: {  	s4 =	sld [smem:$0x3FB1]  }
0x2a: {  	p0 =	seq.s32 s5, $0x0;
	s5 =	sld [smem:$0x3FB2]  }
0x2b: {  	s6 =	sld [smem:$0x3FB3]  }
0x2c: {  	s7 =	sld [smem:$0x3FB4]  }
0x2d: {  	s3 =	simm.s32 $0x108;
	s8 =	sld [smem:$0x3FB5]  }
0x2e: {  	s3 =	simm.s32 @!p0 $0x1082;
	s9 =	sld [smem:$0x3FB6]  }
0x2f: {  	lr =	sadd.s32 s0, s3;
	s0 =	sld [smem:$0x3FAD]  }
0x30: {  	s3 =	sld [smem:$0x3FB0]  }
0x31: {  	[smem:$0x3FB9] =	sst s10  }
0x32: {  	s10 =	sld [smem:$0x3FB7];
	_ =	sdelay $0x3  }
0x33: {  	p0 =	seq.s32 s10, $0x1;
	s10 =	sld [smem:$0x3FB9];
	_ =	sdelay $0x3  }
0x34: {  	[smem:$0x3FB9] =	sst s10  }
0x35: {  	s10 =	sld [smem:$0x3FB8];
	_ =	sdelay $0x3  }
0x36: {  	p1 =	seq.s32 s10, $0x1;
	s10 =	sld [smem:$0x3FB9];
	_ =	sdelay $0x3  }
0x37: {  	[smem:$0x3FB9] =	sst s10  }
0x38: {  	s10 =	sld [smem:$0x3FBA]  }
0x39: {  	_ = 	snop;
	(pc) =	sbr.ind lr, $3  }
0x3a: {  	_ = 	snop  }
0x3b: {  	_ = 	snop  }
0x3c: {  	p2 =	seq.s32 s10, $0x1;
	s10 =	sld [smem:$0x3FB9]  }
0x3d: {  	_ =	shalt  }
0x3e: {  	_ =	shalt  }
0x3f: {  	_ =	shalt  }
0x40: {  	_ =	shalt  }
0x41: {  	_ =	shalt  }
0x42: {  	_ =	shalt  }
0x43: {  	_ =	shalt  }
0x44: {  	_ =	shalt  }
0x45: {  	_ =	shalt  }
0x46: {  	_ =	shalt  }
0x47: {  	_ =	shalt  }
0x48: {  	_ =	shalt  }
0x49: {  	_ =	shalt  }
0x4a: {  	_ =	shalt  }
0x4b: {  	_ =	shalt  }
0x4c: {  	_ =	shalt  }
0x4d: {  	_ =	shalt  }
0x4e: {  	_ =	shalt  }
0x4f: {  	_ =	shalt  }
0x50: {  	_ =	shalt  }
0x51: {  	_ =	shalt  }
0x52: {  	_ =	shalt  }
0x53: {  	_ =	shalt  }
0x54: {  	_ =	shalt  }
0x55: {  	_ =	shalt  }
0x56: {  	_ =	shalt  }
0x57: {  	_ =	shalt  }
0x58: {  	_ =	shalt  }
0x59: {  	_ =	shalt  }
0x5a: {  	_ =	shalt  }
0x5b: {  	_ =	shalt  }
0x5c: {  	_ =	shalt  }
0x5d: {  	_ =	shalt  }
0x5e: {  	_ =	shalt  }
0x5f: {  	_ =	shalt  }
0x60: {  	_ =	shalt  }
0x61: {  	_ =	shalt  }
0x62: {  	_ =	shalt  }
0x63: {  	_ =	shalt  }
0x64: {  	_ =	shalt  }
0x65: {  	_ =	shalt  }
0x66: {  	_ =	shalt  }
0x67: {  	_ =	shalt  }
0x68: {  	_ =	shalt  }
0x69: {  	_ =	shalt  }
0x6a: {  	_ =	shalt  }
0x6b: {  	_ =	shalt  }
0x6c: {  	_ =	shalt  }
0x6d: {  	_ =	shalt  }
0x6e: {  	_ =	shalt  }
0x6f: {  	_ =	shalt  }
0x70: {  	_ =	shalt  }
0x71: {  	_ =	shalt  }
0x72: {  	_ =	shalt  }
0x73: {  	_ =	shalt  }
0x74: {  	_ =	shalt  }
0x75: {  	_ =	shalt  }
0x76: {  	_ =	shalt  }
0x77: {  	_ =	shalt  }
0x78: {  	_ =	shalt  }
0x79: {  	_ =	shalt  }
0x7a: {  	_ =	shalt  }
0x7b: {  	_ =	shalt  }
0x7c: {  	_ =	shalt  }
0x7d: {  	_ =	shalt  }
0x7e: {  	_ =	shalt  }
0x7f: {  	_ =	shalt  }
0x80: {  	_ =	shalt  }
0x81: {  	_ =	shalt  }
0x82: {  	_ =	shalt  }
0x83: {  	_ =	shalt  }
0x84: {  	_ =	shalt  }
0x85: {  	_ =	shalt  }
0x86: {  	_ =	shalt  }
0x87: {  	_ =	shalt  }
.Lfunc_end0:
.L_simem_size_0:
called_computation_lowered:
.L_overlay_start_0:
0x88: {  	s2 =	sld [smem:$0x3FD9]  }
0x89: {  	s3 =	sld [smem:$0x3FFE];
	_ =	sdelay $0x1  }
0x8a: {  	s1 =	srdreg.scid  }
0x8b: {  	s0 =	sand.u32 $0x1, s1  }
0x8c: {  	s17 =	sshll.u32 s0, $0xA;
	s2 =	sadd.s32 s3, s2  }
0x8d: {  	s2 =	sadd.s32 s2, s17  }
0x8e: {  	[smem:$0x3FC5] =	sst s2  }
0x8f: {  	_ = 	snop  }
0x90: {  	s2 =	sld [smem:$0x3FC8]  }
0x91: {  	s18 =	sld [smem:$0x3FC7];
	(tm) =	ssettm $0x1  }
0x92: {  	s4 =	sld [smem:$0x3FFB];
	_ =	sdelay $0x3  }
0x93: {  	_ =	strace s4  }
0x94: {  	s4 =	sld [smem:$0x3FFC];
	_ =	sdelay $0x3  }
0x95: {  	_ =	strace s4  }
0x96: {  	s4 =	sld [smem:$0x3FFD];
	_ =	sdelay $0x3  }
0x97: {  	_ =	strace s4  }
0x98: {  	_ =	strace $0x8FFFFFFF  }
0x99: {  	s19 =	sld [smem:$0x3FDB];
	_ =	sdelay $0x1  }
0x9a: {  	s5 =	simm.s32 $_scs_section_size  }
0x9b: {  	s6 =	simm.s32 $_size__tile_overlayer_lowered;
	s7 =	simm.s32 $_tile_overlayer_lowered  }
0x9c: {  	s22 =	simm.s32 $0x1BFF;
	s21 =	sshll.u32 s7, $0x1;
	s4 =	sadd.s32 s5, s19  }
0x9d: {  	s8 =	simm.s32 $0x0;
	s20 =	sshll.u32 s6, $0x1;
	s6 =	sadd.s32 s21, s4  }
0x9e: {  	[timem:s8], [sflag:s22] =	dma.local [hbm:s6], s20  }
0x9f: {  	_ =	swait.ge [sflag:s22], s20  }
0xa0: {  	s5 =	ssub.s32 $0x0, s20;
	[sflag:s22] =	ssyncset.done $0x0  }
0xa1: {  	[sflag:s22] =	ssyncadd.s32 s5;
	_ =	sdelay $0x1  }
0xa2: {  	s23 =	simm.s32 $0x1B8B  }
0xa3: {  	_ =	swait.ge [sflag:s23], $0x1  }
0xa4: {  	[sflag:s23] =	ssyncset.done $0x0  }
0xa5: {  	s25 =	simm.s32 $0x1B8E;
	s24 =	sld [smem:$0x3FFE];
	[sflag:s23] =	ssyncadd.s32 $0xFFFFFFFF  }
0xa6: {  	s26 =	simm.s32 $execute0_lowered;
	[smem:$0x3FD2] =	sst s25  }
0xa7: {  	s6 =	sshll.u32 s26, $0x1;
	_ =	strace $0x80000046;
	[dreg:$0x1] =	wrdreg $0xFFFFFFFF  }
0xa8: {  	s28 =	simm.s32 $_size_execute0_lowered;
	s4 =	sadd.s32 s4, s6;
	[dreg:$0x0] =	wrdreg $0x0  }
0xa9: {  	s6 =	sshll.u32 s28, $0x1;
	[dreg:$0x2] =	wrdreg s4  }
0xaa: {  	[dreg:$0x3] =	wrdreg s6  }
0xab: {  	[dreg:$0x4] =	wrdreg $0xC0  }
0xac: {  	_ =	task [dreg:s8], $0x5FFFF  }
0xad: {  	[dreg:$0x1] =	wrdreg $0xFFFFFFFF  }
0xae: {  	[dreg:$0x0] =	wrdreg $0x60  }
0xaf: {  	[dreg:$0x2] =	wrdreg s2  }
0xb0: {  	[dreg:$0x3] =	wrdreg s18  }
0xb1: {  	[dreg:$0x4] =	wrdreg s24  }
0xb2: {  	[dreg:$0x5] =	wrdreg $0x9  }
0xb3: {  	_ =	task.clear_ibuf [dreg:s8], $0x6FFFF;
	_ =	strace $0x90000046  }
0xb4: {  	s29 =	simm.s32 $0x9;
	_ =	strace $0x80000048  }
0xb5: {  	_ =	swait.ge [sflag:s29], $0x1  }
0xb6: {  	[sflag:s29] =	ssyncadd.s32 $0xFFFFFFFF  }
0xb7: {  	_ =	strace $0x90000048  }
0xb8: {  	_ =	sfence  }
0xb9: {  	s30 =	sld [smem:$0x0];
	_ =	sdelay $0x2  }
0xba: {  	s31 =	sshll.u32 s1, $0xD;
	s1 =	sshrl.u32 s1, $0x2  }
0xbb: {  	s3 =	sand.u32 $0x4000, s31;
	s1 =	sadd.s32 s1, s30  }
0xbc: {  	s0 =	sor.u32 s3, s0;
	s1 =	sshll.u32 s1, $0x11  }
0xbd: {  	s0 =	sor.u32 s1, s0  }
0xbe: {  	s0 =	sadd.s32 $0x8F2B, s0  }
0xbf: {  	[sflag:s0] =	ssyncadd.remote.s32 $0x1  }
0xc0: {  	_ =	sfence.sel $0xFFFF  }
0xc1: {  	[dreg:$0x0] =	wrdreg $0xFFFFFFFF;
	(pc) =	sbr.abs _section_cstart, $3  }
0xc2: {  	[dreg:$0x1] =	wrdreg $0xFFFFFFFF  }
0xc3: {  	_ =	task.clear_ibuf [dreg:s8], $0x2FFFF;
	_ =	strace $0x9FFFFFFF  }
0xc4: {  	(tm) =	ssettm $0x7FFFFFFF  }
0xc5: {  	_ =	shalt  }
tec
execute0_lowered:
.L_overlay_start_1:
0x0: {  	(tag) =	ssettag $0x1  }
0x1: {  	s1 =	stileid.u32  }
0x2: {  	p0 =	sgt.u32 s1, $0x7  }
.Ltmp0:
0x3: {  	_ = 	snop;
	(pc) =	sbr.rel @p0 .LBB2_4-.Ltmp0, $4  }
0x4: {  	s4 =	rddreg [dreg:$0x1]  }
0x5: {  	s2 =	rddreg [dreg:$0x2];
	s3 =	simm.s32 $0x0  }
0x6: {  	[smem:$0x7FF] =	sst s3  }
0x7: {  	s0 =	rddreg [dreg:$0x3];
	_ =	strace $0x80000047  }
0x8: {  	s0 =	rddreg [dreg:$0x0]  }
0x9: {  	s5 =	sadd.s32 $0x100, s0  }
0xa: {  	s19 =	sadd.s32 $0x200, s0;
	[dreg:$0x4] =	wrdreg s5  }
0xb: {  	s20 =	sadd.s32 $0x300, s0;
	[dreg:$0x5] =	wrdreg s19  }
0xc: {  	s21 =	sadd.s32 $0x400, s0;
	[dreg:$0x6] =	wrdreg s20  }
0xd: {  	s6 =	srdreg.scid;
	s22 =	sadd.s32 $0x500, s0;
	[dreg:$0x7] =	wrdreg s21  }
0xe: {  	s24 =	sshll.u32 s1, $0x1;
	s23 =	sadd.s32 $0x600, s0;
	[dreg:$0x8] =	wrdreg s22  }
0xf: {  	s30 =	sand.u32 $0x1, s6;
	s25 =	sadd.s32 $0x700, s0;
	[dreg:$0x9] =	wrdreg s23  }
0x10: {  	s26 =	sadd.s32 $0x800, s0;
	s31 =	sor.u32 s30, s24;
	[dreg:$0xa] =	wrdreg s25  }
0x11: {  	[dreg:$0xb] =	wrdreg s26;
	s5 =	sadd.s32 s4, s31;
	s4 =	simm.s32 $0x2  }
0x12: {  	[tilespmem:s3], [sflag:$0x2] =	stream.linear.gather [hbm4b:s5+s3], $0x8, $0x38;
	[tilespmem:$0x8080] =	vst v63  }
0x13: {  	_ =	swait.ge [sflag:s4], $0x8  }
0x14: {  	[sflag:s4] =	ssyncset.done $0x0  }
0x15: {  	[sflag:s4] =	ssyncadd.s32 $0xFFFFFFF8  }
0x16: {  	v0 =	vld.msk [tilespmem:$0x0], $0xff;
	_ =	sdelay $0x4  }
0x17: {  	v1 =	vshll.u32 v0, $0x5  }
0x18: {  	v2 =	vlaneseq.u32;
	v3 =	vand.u32 $0x7, v0;
	v1 =	vand.u32 $0xFFFFFF00, v1  }
0x19: {  	v0 =	vand.u32 $0x7, v2;
	v2 =	vshrl.u32 v2, $0x3;
	v3 =	vor.u32 v3, v1  }
0x1a: {  	v1 =	vmul.u32 $0x8, v2;
	v2 =	vperm.xlane v3, v0;
	_ =	sdelay $0x1  }
0x1b: {  	v2 =	vadd.s32 v1, v2;
	_ =	sdelay $0x3  }
0x1c: {  	vm0 =	vmmov $0xffff;
	s6 =	simm.s32 $0x80  }
0x1d: {  	[tilespmem:s6], [sflag:$0x1] =	stream.indirect_vreg.gather [hbm4b:s0+s3], $0x80, v2, vm0, $0xb8;
	[tilespmem:$0x8080] =	vst v63  }
0x1e: {  	s7 =	simm.s32 $0x880;
	s8 =	rddreg [dreg:$0x4]  }
0x1f: {  	[tilespmem:s7], [sflag:$0x1] =	stream.indirect_vreg.gather [hbm4b:s8+s3], $0x80, v2, vm0, $0xb8;
	[tilespmem:$0x8080] =	vst v63  }
0x20: {  	s9 =	rddreg [dreg:$0x5];
	s8 =	simm.s32 $0x1080  }
0x21: {  	[tilespmem:s8], [sflag:$0x1] =	stream.indirect_vreg.gather [hbm4b:s9+s3], $0x80, v2, vm0, $0xb8;
	[tilespmem:$0x8080] =	vst v63  }
0x22: {  	s10 =	rddreg [dreg:$0x6];
	s9 =	simm.s32 $0x1880  }
0x23: {  	[tilespmem:s9], [sflag:$0x1] =	stream.indirect_vreg.gather [hbm4b:s10+s3], $0x80, v2, vm0, $0xb8;
	[tilespmem:$0x8080] =	vst v63  }
0x24: {  	s11 =	rddreg [dreg:$0x7];
	s10 =	simm.s32 $0x2080  }
0x25: {  	[tilespmem:s10], [sflag:$0x1] =	stream.indirect_vreg.gather [hbm4b:s11+s3], $0x80, v2, vm0, $0xb8;
	[tilespmem:$0x8080] =	vst v63  }
0x26: {  	s12 =	rddreg [dreg:$0x8];
	s11 =	simm.s32 $0x2880  }
0x27: {  	[tilespmem:s11], [sflag:$0x1] =	stream.indirect_vreg.gather [hbm4b:s12+s3], $0x80, v2, vm0, $0xb8;
	[tilespmem:$0x8080] =	vst v63  }
0x28: {  	s13 =	rddreg [dreg:$0x9];
	s12 =	simm.s32 $0x3080  }
0x29: {  	[tilespmem:s12], [sflag:$0x1] =	stream.indirect_vreg.gather [hbm4b:s13+s3], $0x80, v2, vm0, $0xb8;
	[tilespmem:$0x8080] =	vst v63  }
0x2a: {  	s14 =	rddreg [dreg:$0xa];
	s13 =	simm.s32 $0x3880  }
0x2b: {  	[tilespmem:s13], [sflag:$0x1] =	stream.indirect_vreg.gather [hbm4b:s14+s3], $0x80, v2, vm0, $0xb8;
	[tilespmem:$0x8080] =	vst v63  }
0x2c: {  	s15 =	rddreg [dreg:$0xb];
	s14 =	simm.s32 $0x4080  }
0x2d: {  	[tilespmem:s14], [sflag:$0x1] =	stream.indirect_vreg.gather [hbm4b:s15+s3], $0x80, v2, vm0, $0xb8;
	[tilespmem:$0x8080] =	vst v63  }
0x2e: {  	s16 =	simm.s32 $0x4880;
	s18 =	simm.s32 $0x5080;
	s15 =	sadd.s32 $0x900, s0  }
0x2f: {  	[tilespmem:s16], [sflag:$0x1] =	stream.indirect_vreg.gather [hbm4b:s15+s3], $0x80, v2, vm0, $0xb8;
	[tilespmem:$0x8080] =	vst v63  }
0x30: {  	s17 =	sadd.s32 $0xA00, s0;
	s28 =	sadd.s32 $0xF00, s0;
	s19 =	sadd.s32 $0xB00, s0  }
0x31: {  	[tilespmem:s18], [sflag:$0x1] =	stream.indirect_vreg.gather [hbm4b:s17+s3], $0x80, v2, vm0, $0xb8;
	[tilespmem:$0x8080] =	vst v63  }
0x32: {  	s20 =	simm.s32 $0x5880;
	s21 =	sadd.s32 $0xC00, s0;
	s22 =	simm.s32 $0x6080  }
0x33: {  	[tilespmem:s20], [sflag:$0x1] =	stream.indirect_vreg.gather [hbm4b:s19+s3], $0x80, v2, vm0, $0xb8;
	[tilespmem:$0x8080] =	vst v63  }
0x34: {  	s23 =	sadd.s32 $0xD00, s0;
	s25 =	sadd.s32 $0xE00, s0;
	s0 =	ssub.s32 $0x2, s30  }
0x35: {  	[tilespmem:s22], [sflag:$0x1] =	stream.indirect_vreg.gather [hbm4b:s21+s3], $0x80, v2, vm0, $0xb8;
	[tilespmem:$0x8080] =	vst v63  }
0x36: {  	s24 =	simm.s32 $0x6880;
	s1 =	sshrl.u32 s0, $0x1  }
0x37: {  	[tilespmem:s24], [sflag:$0x1] =	stream.indirect_vreg.gather [hbm4b:s23+s3], $0x80, v2, vm0, $0xb8;
	[tilespmem:$0x8080] =	vst v63  }
0x38: {  	s26 =	simm.s32 $0x7080;
	s0 =	ssub.s32 s0, s1  }
0x39: {  	[tilespmem:s26], [sflag:$0x1] =	stream.indirect_vreg.gather [hbm4b:s25+s3], $0x80, v2, vm0, $0xb8;
	[tilespmem:$0x8080] =	vst v63  }
0x3a: {  	s29 =	simm.s32 $0x7880;
	s30 =	simm.s32 $0x1;
	s0 =	smax.u32 s0, $0x1  }
0x3b: {  	[tilespmem:s29], [sflag:$0x1] =	stream.indirect_vreg.gather [hbm4b:s28+s3], $0x80, v2, vm0, $0xb8;
	[tilespmem:$0x8080] =	vst v63  }
0x3c: {  	s31 =	sshll.u32 s31, $0xC;
	p0 =	sne.s32 s0, $0x1;
	_ =	swait.ge [sflag:s30], $0x8000  }
.Ltmp1:
0x3d: {  	s31 =	sadd.s32 s31, s2;
	[sflag:s30] =	ssyncset.done $0x0;
	(pc) =	sbr.rel @!p0 .LBB2_3-.Ltmp1, $4  }
0x3e: {  	s31 =	sadd.s32 $0x600, s31;
	[sflag:s30] =	ssyncadd.s32 $0xFFFF8000  }
0x3f: {  	[hbm4b:s31+s3] =	stream.linear.scatter [tilespmem:s6], [sflag:$0x2], $0x8000, $0x38;
	[tilespmem:$0x8080] =	vst v63  }
0x40: {  	_ =	swait.ge [sflag:s4], $0x8000  }
0x41: {  	s0 =	sadd.s32 $0xFFFFFFFF, s0;
	[sflag:s4] =	ssyncset.done $0x0  }
.LBB2_2:
0x42: {  	[sflag:s4] =	ssyncadd.s32 $0xFFFF8000  }
0x43: {  	[tilespmem:s3], [sflag:$0x2] =	stream.linear.gather [hbm4b:s5+s3], $0x8, $0x38;
	[tilespmem:$0x8080] =	vst v63  }
0x44: {  	_ =	swait.ge [sflag:s4], $0x8  }
0x45: {  	[sflag:s4] =	ssyncset.done $0x0  }
0x46: {  	[sflag:s4] =	ssyncadd.s32 $0xFFFFFFF8  }
0x47: {  	v2 =	vld.msk [tilespmem:$0x0], $0xff;
	_ =	sdelay $0x4  }
0x48: {  	v3 =	vshll.u32 v2, $0x5  }
0x49: {  	v2 =	vand.u32 $0x7, v2;
	v3 =	vand.u32 $0xFFFFFF00, v3  }
0x4a: {  	v2 =	vor.u32 v2, v3  }
0x4b: {  	v2 =	vperm.xlane v2, v0;
	_ =	sdelay $0x1  }
0x4c: {  	v2 =	vadd.s32 v1, v2;
	_ =	sdelay $0x3  }
0x4d: {  	s2 =	rddreg [dreg:$0x0]  }
0x4e: {  	[tilespmem:s6], [sflag:$0x1] =	stream.indirect_vreg.gather [hbm4b:s2+s3], $0x80, v2, vm0, $0xb8;
	[tilespmem:$0x8080] =	vst v63  }
0x4f: {  	s1 =	rddreg [dreg:$0x4]  }
0x50: {  	[tilespmem:s7], [sflag:$0x1] =	stream.indirect_vreg.gather [hbm4b:s1+s3], $0x80, v2, vm0, $0xb8;
	[tilespmem:$0x8080] =	vst v63  }
0x51: {  	s2 =	rddreg [dreg:$0x5]  }
0x52: {  	[tilespmem:s8], [sflag:$0x1] =	stream.indirect_vreg.gather [hbm4b:s2+s3], $0x80, v2, vm0, $0xb8;
	[tilespmem:$0x8080] =	vst v63  }
0x53: {  	s1 =	rddreg [dreg:$0x6]  }
0x54: {  	[tilespmem:s9], [sflag:$0x1] =	stream.indirect_vreg.gather [hbm4b:s1+s3], $0x80, v2, vm0, $0xb8;
	[tilespmem:$0x8080] =	vst v63  }
0x55: {  	s2 =	rddreg [dreg:$0x7]  }
0x56: {  	[tilespmem:s10], [sflag:$0x1] =	stream.indirect_vreg.gather [hbm4b:s2+s3], $0x80, v2, vm0, $0xb8;
	[tilespmem:$0x8080] =	vst v63  }
0x57: {  	s1 =	rddreg [dreg:$0x8]  }
0x58: {  	[tilespmem:s11], [sflag:$0x1] =	stream.indirect_vreg.gather [hbm4b:s1+s3], $0x80, v2, vm0, $0xb8;
	[tilespmem:$0x8080] =	vst v63  }
0x59: {  	s2 =	rddreg [dreg:$0x9]  }
0x5a: {  	[tilespmem:s12], [sflag:$0x1] =	stream.indirect_vreg.gather [hbm4b:s2+s3], $0x80, v2, vm0, $0xb8;
	[tilespmem:$0x8080] =	vst v63  }
0x5b: {  	s1 =	rddreg [dreg:$0xa]  }
0x5c: {  	[tilespmem:s13], [sflag:$0x1] =	stream.indirect_vreg.gather [hbm4b:s1+s3], $0x80, v2, vm0, $0xb8;
	[tilespmem:$0x8080] =	vst v63  }
0x5d: {  	s2 =	rddreg [dreg:$0xb]  }
0x5e: {  	[tilespmem:s14], [sflag:$0x1] =	stream.indirect_vreg.gather [hbm4b:s2+s3], $0x80, v2, vm0, $0xb8;
	[tilespmem:$0x8080] =	vst v63  }
0x5f: {  	_ = 	snop  }
0x60: {  	[tilespmem:s16], [sflag:$0x1] =	stream.indirect_vreg.gather [hbm4b:s15+s3], $0x80, v2, vm0, $0xb8;
	[tilespmem:$0x8080] =	vst v63  }
0x61: {  	_ = 	snop  }
0x62: {  	[tilespmem:s18], [sflag:$0x1] =	stream.indirect_vreg.gather [hbm4b:s17+s3], $0x80, v2, vm0, $0xb8;
	[tilespmem:$0x8080] =	vst v63  }
0x63: {  	_ = 	snop  }
0x64: {  	[tilespmem:s20], [sflag:$0x1] =	stream.indirect_vreg.gather [hbm4b:s19+s3], $0x80, v2, vm0, $0xb8;
	[tilespmem:$0x8080] =	vst v63  }
0x65: {  	_ = 	snop  }
0x66: {  	[tilespmem:s22], [sflag:$0x1] =	stream.indirect_vreg.gather [hbm4b:s21+s3], $0x80, v2, vm0, $0xb8;
	[tilespmem:$0x8080] =	vst v63  }
0x67: {  	_ = 	snop  }
0x68: {  	[tilespmem:s24], [sflag:$0x1] =	stream.indirect_vreg.gather [hbm4b:s23+s3], $0x80, v2, vm0, $0xb8;
	[tilespmem:$0x8080] =	vst v63  }
0x69: {  	_ = 	snop  }
0x6a: {  	[tilespmem:s26], [sflag:$0x1] =	stream.indirect_vreg.gather [hbm4b:s25+s3], $0x80, v2, vm0, $0xb8;
	[tilespmem:$0x8080] =	vst v63  }
0x6b: {  	_ = 	snop  }
0x6c: {  	[tilespmem:s29], [sflag:$0x1] =	stream.indirect_vreg.gather [hbm4b:s28+s3], $0x80, v2, vm0, $0xb8;
	[tilespmem:$0x8080] =	vst v63  }
0x6d: {  	p0 =	sne.s32 s0, $0x1;
	_ =	swait.ge [sflag:s30], $0x8000  }
.Ltmp2:
0x6e: {  	[sflag:s30] =	ssyncset.done $0x0;
	(pc) =	sbr.rel @p0 .LBB2_2-.Ltmp2, $4  }
0x6f: {  	[sflag:s30] =	ssyncadd.s32 $0xFFFF8000  }
0x70: {  	[hbm4b:s31+s3] =	stream.linear.scatter [tilespmem:s6], [sflag:$0x2], $0x8000, $0x38;
	[tilespmem:$0x8080] =	vst v63  }
0x71: {  	_ =	swait.ge [sflag:s4], $0x8000  }
0x72: {  	s0 =	sadd.s32 $0xFFFFFFFF, s0;
	[sflag:s4] =	ssyncset.done $0x0  }
.LBB2_3:
0x73: {  	[sflag:s4] =	ssyncadd.s32 $0xFFFF8000  }
0x74: {  	s1 =	stileid.u32;
	s0 =	rddreg [dreg:$0x3]  }
.LBB2_4:
0x75: {  	_ =	sfence.sel $0x180000  }
0x76: {  	[bflag:$0x0] =	sbarrier.arrive $0xFFFF  }
0x77: {  	p0 =	sne.s32 s1, $0x0;
	_ =	strace $0x90000047  }
0x78: {  	s0 =	sadd.s32 @!p0 $0x100000, s0;
	[bflag:$0x2] =	sbarrier.arrive $0xFFFF  }
0x79: {  	[sflag:s0] =	ssyncadd.tile.s32 @!p0 $0x1;
	_ =	shalt  }
.Lfunc_end2:
_tile_overlayer_lowered:
.L_overlay_start_2:
0x7a: {  	(tag) =	ssettag $0x2  }
0x7b: {  	s0 =	rddreg [dreg:$0x0];
	s2 =	stileid.u32  }
0x7c: {  	s1 =	rddreg [dreg:$0x1];
	p0 =	sne.s32 s2, $0x0  }
0x7d: {  	s3 =	rddreg [dreg:$0x2];
	[bflag:$0x3] =	sbarrier.arrive $0xFFFF;
	s2 =	simm.s32 @!p0 $0x1C02  }
0x7e: {  	[timem:s3], [sflag:s2] =	dma.local @!p0 [hbm:s0], s1  }
0x7f: {  	s0 =	simm.s32 @!p0 $0x2  }
0x80: {  	_ =	swait.ge @!p0 [sflag:s0], s1  }
0x81: {  	s1 =	ssub.s32 @!p0 $0x0, s1;
	[sflag:s0] =	ssyncset.done @!p0 $0x0  }
0x82: {  	[sflag:s0] =	ssyncadd.s32 @!p0 s1  }
0x83: {  	[bflag:$0x3] =	sbarrier.arrive $0xFFFF  }
0x84: {  	_ =	shalt  }

</sc_bundles>
